<compile_context>
chip_gen: v7x
topology: tpu7x:2x2x1
jax: 0.10.2.dev20260603
libtpu: 0.0.44.dev20260713+nightly
codegen_flags: <defaults>
</compile_context>

<pallas_src>
import jax
import jax.numpy as jnp
from jax import lax
from jax.experimental import pallas as pl
from jax.experimental.pallas import tpu as pltpu
from jax.experimental.pallas import tpu_sc as plsc

NC = 2
NS = 16
NW = NC * NS

NROW, NCOL = 4096, 200
PADCOL = 256
RPW = NROW // NW
BPW = RPW * NCOL
RPC = 8
CH = RPC * NCOL
NCH = BPW // CH
KFLIGHT = 8
L = 16
NSL = 13


def _body(xf_hbm, i0_hbm, i1_hbm, out_hbm, i0_v, i1_v, flat_v, out_v, sem, isem):
    wid = lax.axis_index("s") * NC + lax.axis_index("c")
    r0 = wid * RPW
    base = wid * BPW

    cp0 = pltpu.async_copy(i0_hbm.at[pl.ds(r0, RPW), :], i0_v, isem)
    cp1 = pltpu.async_copy(i1_hbm.at[pl.ds(r0, RPW), :], i1_v, isem)
    cp0.wait()
    cp1.wait()

    def gather_start(j):
        pltpu.async_copy(
            xf_hbm.at[flat_v.at[pl.ds(j * CH, CH)]],
            out_v.at[pl.ds(j * CH, CH)],
            sem,
        )

    def gather_wait(j):
        pltpu.make_async_copy(
            xf_hbm.at[flat_v.at[pl.ds(j * CH, CH)]],
            out_v.at[pl.ds(j * CH, CH)],
            sem,
        ).wait()

    def row_body(r, carry):
        fbase = r * NCOL
        for k in range(NSL):
            c = k * L
            flat_v[pl.ds(fbase + c, L)] = (
                (i0_v[r, pl.ds(c, L)] << 7) + i1_v[r, pl.ds(c, L)]
            )
        return carry

    def loop_body(j, carry):
        rlo = j * RPC
        lax.fori_loop(0, RPC, lambda i, c: row_body(rlo + i, c), carry)

        @pl.when(j >= KFLIGHT)
        def _():
            gather_wait(j - KFLIGHT)

        gather_start(j)
        return carry

    lax.fori_loop(0, NCH, loop_body, 0)

    def drain_body(j, carry):
        gather_wait(j)
        return carry

    lax.fori_loop(NCH - KFLIGHT, NCH, drain_body, 0)

    pltpu.sync_copy(out_v.at[pl.ds(0, BPW)], out_hbm.at[pl.ds(base, BPW)])


@jax.jit
def kernel(x, idx0, idx1):
    xf = x.reshape(-1)
    i0 = jnp.pad(idx0.astype(jnp.int32), ((0, 0), (0, PADCOL - NCOL)))
    i1 = jnp.pad(idx1.astype(jnp.int32), ((0, 0), (0, PADCOL - NCOL)))

    mesh = plsc.VectorSubcoreMesh(core_axis_name="c", subcore_axis_name="s")
    run = pl.kernel(
        _body,
        out_type=jax.ShapeDtypeStruct((NROW * NCOL,), jnp.float32),
        mesh=mesh,
        scratch_types=[
            pltpu.VMEM((RPW, PADCOL), jnp.int32),
            pltpu.VMEM((RPW, PADCOL), jnp.int32),
            pltpu.VMEM((BPW + L,), jnp.int32),
            pltpu.VMEM((BPW + L,), jnp.float32),
            pltpu.SemaphoreType.DMA,
            pltpu.SemaphoreType.DMA,
        ],
    )
    out = run(xf, i0, i1)
    return out.reshape(NROW, NCOL)

# --- scband reference (transcript-rebuilt; emitter-appended) ---
"""Pipeline reference for scband-multi-index2-d-65103114273472 (READ-ONLY COPY).

The authoritative reference and input builder live on the scoring server;
editing this copy changes nothing except your own understanding.
"""

import jax, jax.numpy as jnp
import numpy as np


def setup_inputs(seed: int = 0) -> dict:
    key = jax.random.key(seed)
    k1, k2, k3 = jax.random.split(key, 3)
    x = jax.random.normal(k1, (100000, 128), dtype=jnp.float32)
    idx0 = jax.random.randint(k2, (4096, 200), 0, 100000, dtype=jnp.int64) if jax.config.jax_enable_x64 else jax.random.randint(k2, (4096, 200), 0, 100000).astype(jnp.int32)
    idx1 = jax.random.randint(k3, (4096, 200), 0, 128, dtype=jnp.int64) if jax.config.jax_enable_x64 else jax.random.randint(k3, (4096, 200), 0, 128).astype(jnp.int32)
    return {"x": x, "idx0": idx0, "idx1": idx1}


def reference(x, idx0, idx1):
    # Faithful translation of torch x[idx0, idx1]: advanced indexing on both dims,
    # broadcasting idx0 and idx1 elementwise -> output shape == idx0.shape.
    return x[idx0, idx1]

if __name__ == "__main__":
    import jax
    _d = setup_inputs()
    print(jax.jit(kernel)(*tuple(_d.values())))

</pallas_src>

<mosaic_0001>
#map = affine_map<(d0, d1) -> (0)>
#map1 = affine_map<(d0, d1) -> (0, 0)>
module attributes {stable_mosaic.version = 14 : i64} {
  func.func @_body(%arg0: i32, %arg1: i32, %arg2: memref<12800000xf32, #tpu.memory_space<hbm>>, %arg3: memref<4096x256xi32, #tpu.memory_space<hbm>>, %arg4: memref<4096x256xi32, #tpu.memory_space<hbm>>, %arg5: memref<819200xf32, #tpu.memory_space<hbm>>, %arg6: memref<128x256xi32, #tpu.memory_space<vmem>>, %arg7: memref<128x256xi32, #tpu.memory_space<vmem>>, %arg8: memref<25616xi32, #tpu.memory_space<vmem>>, %arg9: memref<25616xf32, #tpu.memory_space<vmem>>, %arg10: memref<!tpu.dma_semaphore, #tpu.memory_space<semaphore_mem>>, %arg11: memref<!tpu.dma_semaphore, #tpu.memory_space<semaphore_mem>>) attributes {dimension_semantics = [#tpu.dimension_semantics<core_parallel>, #tpu.dimension_semantics<subcore_parallel>], iteration_bounds = array<i64: 2, 16>, scalar_prefetch = 0 : i64, scratch_operands = 6 : i64, tpu.core_type = #tpu.core_type<sc_vector_subcore>, window_params = [{transform_indices = #map}, {transform_indices = #map1}, {transform_indices = #map1}, {transform_indices = #map}]} {
    %mul3A = arith.constant 2 : i32
    %mul3A_0 = arith.muli %arg1, %mul3A : i32
    %add3A = arith.addi %mul3A_0, %arg0 : i32
    %mul3A_1 = arith.constant 128 : i32
    %mul3A_2 = arith.muli %add3A, %mul3A_1 : i32
    %mul3A_3 = arith.constant 25600 : i32
    %mul3A_4 = arith.muli %add3A, %mul3A_3 : i32
    %dma_start3A = arith.constant 0 : i32
    %dma_start3A_5 = tpu.memref_slice %arg3[%mul3A_2, %dma_start3A] : memref<4096x256xi32, #tpu.memory_space<hbm>> -> memref<128x256xi32, #tpu.memory_space<hbm>>
    %dma_start3A_6 = arith.constant 0 : i32
    %dma_start3A_7 = tpu.memref_slice %arg3[%mul3A_2, %dma_start3A_6] : memref<4096x256xi32, #tpu.memory_space<hbm>> -> memref<128x256xi32, #tpu.memory_space<hbm>>
    tpu.enqueue_dma source(%dma_start3A_7 : memref<128x256xi32, #tpu.memory_space<hbm>>) target(%arg6 : memref<128x256xi32, #tpu.memory_space<vmem>>) target_semaphore(%arg11 : memref<!tpu.dma_semaphore, #tpu.memory_space<semaphore_mem>>)
    %dma_start3A_8 = arith.constant 0 : i32
    %dma_start3A_9 = tpu.memref_slice %arg4[%mul3A_2, %dma_start3A_8] : memref<4096x256xi32, #tpu.memory_space<hbm>> -> memref<128x256xi32, #tpu.memory_space<hbm>>
    %dma_start3A_10 = arith.constant 0 : i32
    %dma_start3A_11 = tpu.memref_slice %arg4[%mul3A_2, %dma_start3A_10] : memref<4096x256xi32, #tpu.memory_space<hbm>> -> memref<128x256xi32, #tpu.memory_space<hbm>>
    tpu.enqueue_dma source(%dma_start3A_11 : memref<128x256xi32, #tpu.memory_space<hbm>>) target(%arg7 : memref<128x256xi32, #tpu.memory_space<vmem>>) target_semaphore(%arg11 : memref<!tpu.dma_semaphore, #tpu.memory_space<semaphore_mem>>)
    %dma_wait3A = arith.constant 0 : i32
    %dma_wait3A_12 = tpu.memref_slice %arg3[%mul3A_2, %dma_wait3A] : memref<4096x256xi32, #tpu.memory_space<hbm>> -> memref<128x256xi32, #tpu.memory_space<hbm>>
    %dma_wait3A_13 = arith.constant 0 : i32
    %dma_wait3A_14 = tpu.memref_slice %arg3[%mul3A_2, %dma_wait3A_13] : memref<4096x256xi32, #tpu.memory_space<hbm>> -> memref<128x256xi32, #tpu.memory_space<hbm>>
    tpu.wait_dma2 semaphore(%arg11 : memref<!tpu.dma_semaphore, #tpu.memory_space<semaphore_mem>>) src(%dma_wait3A_14 : memref<128x256xi32, #tpu.memory_space<hbm>>) dst(%arg6 : memref<128x256xi32, #tpu.memory_space<vmem>>)
    %dma_wait3A_15 = arith.constant 0 : i32
    %dma_wait3A_16 = tpu.memref_slice %arg4[%mul3A_2, %dma_wait3A_15] : memref<4096x256xi32, #tpu.memory_space<hbm>> -> memref<128x256xi32, #tpu.memory_space<hbm>>
    %dma_wait3A_17 = arith.constant 0 : i32
    %dma_wait3A_18 = tpu.memref_slice %arg4[%mul3A_2, %dma_wait3A_17] : memref<4096x256xi32, #tpu.memory_space<hbm>> -> memref<128x256xi32, #tpu.memory_space<hbm>>
    tpu.wait_dma2 semaphore(%arg11 : memref<!tpu.dma_semaphore, #tpu.memory_space<semaphore_mem>>) src(%dma_wait3A_18 : memref<128x256xi32, #tpu.memory_space<hbm>>) dst(%arg7 : memref<128x256xi32, #tpu.memory_space<vmem>>)
    %scan3A = arith.constant 0 : i32
    %scan3A_19 = arith.constant 0 : i32
    %scan3A_20 = arith.constant 16 : i32
    %scan3A_21 = arith.addi %scan3A_19, %scan3A_20 : i32
    %scan3A_22 = arith.constant 1 : i32
    scf.for %scan3A_30 = %scan3A_19 to %scan3A_21 step %scan3A_22  : i32 {
      %mul3A_31 = arith.constant 8 : i32
      %mul3A_32 = arith.muli %scan3A_30, %mul3A_31 : i32
      %scan3A_33 = arith.constant 0 : i32
      %scan3A_34 = arith.constant 8 : i32
      %scan3A_35 = arith.addi %scan3A_33, %scan3A_34 : i32
      %scan3A_36 = arith.constant 1 : i32
      scf.for %scan3A_48 = %scan3A_33 to %scan3A_35 step %scan3A_36  : i32 {
        %add3A_49 = arith.addi %mul3A_32, %scan3A_48 : i32
        %mul3A_50 = arith.constant 200 : i32
        %mul3A_51 = arith.muli %add3A_49, %mul3A_50 : i32
        %get3A = arith.index_cast %add3A_49 : i32 to index
        %get3A_52 = arith.constant 0 : index
        %get3A_53 = tpu.vector_load %arg6[%get3A, %get3A_52] {strides = array<i32>} : memref<128x256xi32, #tpu.memory_space<vmem>>, vector<1x16xi32>,
        %get3A_54 = vector.shape_cast %get3A_53 : vector<1x16xi32> to vector<16xi32>
        %shift_left3A = arith.constant 7 : i32
        %shift_left3A_55 = vector.broadcast %shift_left3A : i32 to vector<16xi32>
        %shift_left3A_56 = arith.shli %get3A_54, %shift_left3A_55 : vector<16xi32>
        %get3A_57 = arith.index_cast %add3A_49 : i32 to index
        %get3A_58 = arith.constant 0 : index
        %get3A_59 = tpu.vector_load %arg7[%get3A_57, %get3A_58] {strides = array<i32>} : memref<128x256xi32, #tpu.memory_space<vmem>>, vector<1x16xi32>,
        %get3A_60 = vector.shape_cast %get3A_59 : vector<1x16xi32> to vector<16xi32>
        %add3A_61 = arith.addi %shift_left3A_56, %get3A_60 : vector<16xi32>
        %add3A_62 = arith.constant 0 : i32
        %add3A_63 = arith.addi %mul3A_51, %add3A_62 : i32
        %swap3A = arith.index_cast %add3A_63 : i32 to index
        %swap3A_64 = tpu.vector_load %arg8[%swap3A] {strides = array<i32>} : memref<25616xi32, #tpu.memory_space<vmem>>, vector<16xi32>,
        %swap3A_65 = vector.shape_cast %swap3A_64 : vector<16xi32> to vector<16xi32>
        %swap3A_66 = vector.shape_cast %add3A_61 : vector<16xi32> to vector<16xi32>
        tpu.vector_store %arg8[%swap3A], %swap3A_66 {strides = array<i32>} : memref<25616xi32, #tpu.memory_space<vmem>>, vector<16xi32>,
        %get3A_67 = arith.index_cast %add3A_49 : i32 to index
        %get3A_68 = arith.constant 16 : index
        %get3A_69 = tpu.vector_load %arg6[%get3A_67, %get3A_68] {strides = array<i32>} : memref<128x256xi32, #tpu.memory_space<vmem>>, vector<1x16xi32>,
        %get3A_70 = vector.shape_cast %get3A_69 : vector<1x16xi32> to vector<16xi32>
        %shift_left3A_71 = arith.constant 7 : i32
        %shift_left3A_72 = vector.broadcast %shift_left3A_71 : i32 to vector<16xi32>
        %shift_left3A_73 = arith.shli %get3A_70, %shift_left3A_72 : vector<16xi32>
        %get3A_74 = arith.index_cast %add3A_49 : i32 to index
        %get3A_75 = arith.constant 16 : index
        %get3A_76 = tpu.vector_load %arg7[%get3A_74, %get3A_75] {strides = array<i32>} : memref<128x256xi32, #tpu.memory_space<vmem>>, vector<1x16xi32>,
        %get3A_77 = vector.shape_cast %get3A_76 : vector<1x16xi32> to vector<16xi32>
        %add3A_78 = arith.addi %shift_left3A_73, %get3A_77 : vector<16xi32>
        %add3A_79 = arith.constant 16 : i32
        %add3A_80 = arith.addi %mul3A_51, %add3A_79 : i32
        %swap3A_81 = arith.index_cast %add3A_80 : i32 to index
        %swap3A_82 = tpu.vector_load %arg8[%swap3A_81] {strides = array<i32>} : memref<25616xi32, #tpu.memory_space<vmem>>, vector<16xi32>,
        %swap3A_83 = vector.shape_cast %swap3A_82 : vector<16xi32> to vector<16xi32>
        %swap3A_84 = vector.shape_cast %add3A_78 : vector<16xi32> to vector<16xi32>
        tpu.vector_store %arg8[%swap3A_81], %swap3A_84 {strides = array<i32>} : memref<25616xi32, #tpu.memory_space<vmem>>, vector<16xi32>,
        %get3A_85 = arith.index_cast %add3A_49 : i32 to index
        %get3A_86 = arith.constant 32 : index
        %get3A_87 = tpu.vector_load %arg6[%get3A_85, %get3A_86] {strides = array<i32>} : memref<128x256xi32, #tpu.memory_space<vmem>>, vector<1x16xi32>,
        %get3A_88 = vector.shape_cast %get3A_87 : vector<1x16xi32> to vector<16xi32>
        %shift_left3A_89 = arith.constant 7 : i32
        %shift_left3A_90 = vector.broadcast %shift_left3A_89 : i32 to vector<16xi32>
        %shift_left3A_91 = arith.shli %get3A_88, %shift_left3A_90 : vector<16xi32>
        %get3A_92 = arith.index_cast %add3A_49 : i32 to index
        %get3A_93 = arith.constant 32 : index
        %get3A_94 = tpu.vector_load %arg7[%get3A_92, %get3A_93] {strides = array<i32>} : memref<128x256xi32, #tpu.memory_space<vmem>>, vector<1x16xi32>,
        %get3A_95 = vector.shape_cast %get3A_94 : vector<1x16xi32> to vector<16xi32>
        %add3A_96 = arith.addi %shift_left3A_91, %get3A_95 : vector<16xi32>
        %add3A_97 = arith.constant 32 : i32
        %add3A_98 = arith.addi %mul3A_51, %add3A_97 : i32
        %swap3A_99 = arith.index_cast %add3A_98 : i32 to index
        %swap3A_100 = tpu.vector_load %arg8[%swap3A_99] {strides = array<i32>} : memref<25616xi32, #tpu.memory_space<vmem>>, vector<16xi32>,
        %swap3A_101 = vector.shape_cast %swap3A_100 : vector<16xi32> to vector<16xi32>
        %swap3A_102 = vector.shape_cast %add3A_96 : vector<16xi32> to vector<16xi32>
        tpu.vector_store %arg8[%swap3A_99], %swap3A_102 {strides = array<i32>} : memref<25616xi32, #tpu.memory_space<vmem>>, vector<16xi32>,
        %get3A_103 = arith.index_cast %add3A_49 : i32 to index
        %get3A_104 = arith.constant 48 : index
        %get3A_105 = tpu.vector_load %arg6[%get3A_103, %get3A_104] {strides = array<i32>} : memref<128x256xi32, #tpu.memory_space<vmem>>, vector<1x16xi32>,
        %get3A_106 = vector.shape_cast %get3A_105 : vector<1x16xi32> to vector<16xi32>
        %shift_left3A_107 = arith.constant 7 : i32
        %shift_left3A_108 = vector.broadcast %shift_left3A_107 : i32 to vector<16xi32>
        %shift_left3A_109 = arith.shli %get3A_106, %shift_left3A_108 : vector<16xi32>
        %get3A_110 = arith.index_cast %add3A_49 : i32 to index
        %get3A_111 = arith.constant 48 : index
        %get3A_112 = tpu.vector_load %arg7[%get3A_110, %get3A_111] {strides = array<i32>} : memref<128x256xi32, #tpu.memory_space<vmem>>, vector<1x16xi32>,
        %get3A_113 = vector.shape_cast %get3A_112 : vector<1x16xi32> to vector<16xi32>
        %add3A_114 = arith.addi %shift_left3A_109, %get3A_113 : vector<16xi32>
        %add3A_115 = arith.constant 48 : i32
        %add3A_116 = arith.addi %mul3A_51, %add3A_115 : i32
        %swap3A_117 = arith.index_cast %add3A_116 : i32 to index
        %swap3A_118 = tpu.vector_load %arg8[%swap3A_117] {strides = array<i32>} : memref<25616xi32, #tpu.memory_space<vmem>>, vector<16xi32>,
        %swap3A_119 = vector.shape_cast %swap3A_118 : vector<16xi32> to vector<16xi32>
        %swap3A_120 = vector.shape_cast %add3A_114 : vector<16xi32> to vector<16xi32>
        tpu.vector_store %arg8[%swap3A_117], %swap3A_120 {strides = array<i32>} : memref<25616xi32, #tpu.memory_space<vmem>>, vector<16xi32>,
        %get3A_121 = arith.index_cast %add3A_49 : i32 to index
        %get3A_122 = arith.constant 64 : index
        %get3A_123 = tpu.vector_load %arg6[%get3A_121, %get3A_122] {strides = array<i32>} : memref<128x256xi32, #tpu.memory_space<vmem>>, vector<1x16xi32>,
        %get3A_124 = vector.shape_cast %get3A_123 : vector<1x16xi32> to vector<16xi32>
        %shift_left3A_125 = arith.constant 7 : i32
        %shift_left3A_126 = vector.broadcast %shift_left3A_125 : i32 to vector<16xi32>
        %shift_left3A_127 = arith.shli %get3A_124, %shift_left3A_126 : vector<16xi32>
        %get3A_128 = arith.index_cast %add3A_49 : i32 to index
        %get3A_129 = arith.constant 64 : index
        %get3A_130 = tpu.vector_load %arg7[%get3A_128, %get3A_129] {strides = array<i32>} : memref<128x256xi32, #tpu.memory_space<vmem>>, vector<1x16xi32>,
        %get3A_131 = vector.shape_cast %get3A_130 : vector<1x16xi32> to vector<16xi32>
        %add3A_132 = arith.addi %shift_left3A_127, %get3A_131 : vector<16xi32>
        %add3A_133 = arith.constant 64 : i32
        %add3A_134 = arith.addi %mul3A_51, %add3A_133 : i32
        %swap3A_135 = arith.index_cast %add3A_134 : i32 to index
        %swap3A_136 = tpu.vector_load %arg8[%swap3A_135] {strides = array<i32>} : memref<25616xi32, #tpu.memory_space<vmem>>, vector<16xi32>,
        %swap3A_137 = vector.shape_cast %swap3A_136 : vector<16xi32> to vector<16xi32>
        %swap3A_138 = vector.shape_cast %add3A_132 : vector<16xi32> to vector<16xi32>
        tpu.vector_store %arg8[%swap3A_135], %swap3A_138 {strides = array<i32>} : memref<25616xi32, #tpu.memory_space<vmem>>, vector<16xi32>,
        %get3A_139 = arith.index_cast %add3A_49 : i32 to index
        %get3A_140 = arith.constant 80 : index
        %get3A_141 = tpu.vector_load %arg6[%get3A_139, %get3A_140] {strides = array<i32>} : memref<128x256xi32, #tpu.memory_space<vmem>>, vector<1x16xi32>,
        %get3A_142 = vector.shape_cast %get3A_141 : vector<1x16xi32> to vector<16xi32>
        %shift_left3A_143 = arith.constant 7 : i32
        %shift_left3A_144 = vector.broadcast %shift_left3A_143 : i32 to vector<16xi32>
        %shift_left3A_145 = arith.shli %get3A_142, %shift_left3A_144 : vector<16xi32>
        %get3A_146 = arith.index_cast %add3A_49 : i32 to index
        %get3A_147 = arith.constant 80 : index
        %get3A_148 = tpu.vector_load %arg7[%get3A_146, %get3A_147] {strides = array<i32>} : memref<128x256xi32, #tpu.memory_space<vmem>>, vector<1x16xi32>,
        %get3A_149 = vector.shape_cast %get3A_148 : vector<1x16xi32> to vector<16xi32>
        %add3A_150 = arith.addi %shift_left3A_145, %get3A_149 : vector<16xi32>
        %add3A_151 = arith.constant 80 : i32
        %add3A_152 = arith.addi %mul3A_51, %add3A_151 : i32
        %swap3A_153 = arith.index_cast %add3A_152 : i32 to index
        %swap3A_154 = tpu.vector_load %arg8[%swap3A_153] {strides = array<i32>} : memref<25616xi32, #tpu.memory_space<vmem>>, vector<16xi32>,
        %swap3A_155 = vector.shape_cast %swap3A_154 : vector<16xi32> to vector<16xi32>
        %swap3A_156 = vector.shape_cast %add3A_150 : vector<16xi32> to vector<16xi32>
        tpu.vector_store %arg8[%swap3A_153], %swap3A_156 {strides = array<i32>} : memref<25616xi32, #tpu.memory_space<vmem>>, vector<16xi32>,
        %get3A_157 = arith.index_cast %add3A_49 : i32 to index
        %get3A_158 = arith.constant 96 : index
        %get3A_159 = tpu.vector_load %arg6[%get3A_157, %get3A_158] {strides = array<i32>} : memref<128x256xi32, #tpu.memory_space<vmem>>, vector<1x16xi32>,
        %get3A_160 = vector.shape_cast %get3A_159 : vector<1x16xi32> to vector<16xi32>
        %shift_left3A_161 = arith.constant 7 : i32
        %shift_left3A_162 = vector.broadcast %shift_left3A_161 : i32 to vector<16xi32>
        %shift_left3A_163 = arith.shli %get3A_160, %shift_left3A_162 : vector<16xi32>
        %get3A_164 = arith.index_cast %add3A_49 : i32 to index
        %get3A_165 = arith.constant 96 : index
        %get3A_166 = tpu.vector_load %arg7[%get3A_164, %get3A_165] {strides = array<i32>} : memref<128x256xi32, #tpu.memory_space<vmem>>, vector<1x16xi32>,
        %get3A_167 = vector.shape_cast %get3A_166 : vector<1x16xi32> to vector<16xi32>
        %add3A_168 = arith.addi %shift_left3A_163, %get3A_167 : vector<16xi32>
        %add3A_169 = arith.constant 96 : i32
        %add3A_170 = arith.addi %mul3A_51, %add3A_169 : i32
        %swap3A_171 = arith.index_cast %add3A_170 : i32 to index
        %swap3A_172 = tpu.vector_load %arg8[%swap3A_171] {strides = array<i32>} : memref<25616xi32, #tpu.memory_space<vmem>>, vector<16xi32>,
        %swap3A_173 = vector.shape_cast %swap3A_172 : vector<16xi32> to vector<16xi32>
        %swap3A_174 = vector.shape_cast %add3A_168 : vector<16xi32> to vector<16xi32>
        tpu.vector_store %arg8[%swap3A_171], %swap3A_174 {strides = array<i32>} : memref<25616xi32, #tpu.memory_space<vmem>>, vector<16xi32>,
        %get3A_175 = arith.index_cast %add3A_49 : i32 to index
        %get3A_176 = arith.constant 112 : index
        %get3A_177 = tpu.vector_load %arg6[%get3A_175, %get3A_176] {strides = array<i32>} : memref<128x256xi32, #tpu.memory_space<vmem>>, vector<1x16xi32>,
        %get3A_178 = vector.shape_cast %get3A_177 : vector<1x16xi32> to vector<16xi32>
        %shift_left3A_179 = arith.constant 7 : i32
        %shift_left3A_180 = vector.broadcast %shift_left3A_179 : i32 to vector<16xi32>
        %shift_left3A_181 = arith.shli %get3A_178, %shift_left3A_180 : vector<16xi32>
        %get3A_182 = arith.index_cast %add3A_49 : i32 to index
        %get3A_183 = arith.constant 112 : index
        %get3A_184 = tpu.vector_load %arg7[%get3A_182, %get3A_183] {strides = array<i32>} : memref<128x256xi32, #tpu.memory_space<vmem>>, vector<1x16xi32>,
        %get3A_185 = vector.shape_cast %get3A_184 : vector<1x16xi32> to vector<16xi32>
        %add3A_186 = arith.addi %shift_left3A_181, %get3A_185 : vector<16xi32>
        %add3A_187 = arith.constant 112 : i32
        %add3A_188 = arith.addi %mul3A_51, %add3A_187 : i32
        %swap3A_189 = arith.index_cast %add3A_188 : i32 to index
        %swap3A_190 = tpu.vector_load %arg8[%swap3A_189] {strides = array<i32>} : memref<25616xi32, #tpu.memory_space<vmem>>, vector<16xi32>,
        %swap3A_191 = vector.shape_cast %swap3A_190 : vector<16xi32> to vector<16xi32>
        %swap3A_192 = vector.shape_cast %add3A_186 : vector<16xi32> to vector<16xi32>
        tpu.vector_store %arg8[%swap3A_189], %swap3A_192 {strides = array<i32>} : memref<25616xi32, #tpu.memory_space<vmem>>, vector<16xi32>,
        %get3A_193 = arith.index_cast %add3A_49 : i32 to index
        %get3A_194 = arith.constant 128 : index
        %get3A_195 = tpu.vector_load %arg6[%get3A_193, %get3A_194] {strides = array<i32>} : memref<128x256xi32, #tpu.memory_space<vmem>>, vector<1x16xi32>,
        %get3A_196 = vector.shape_cast %get3A_195 : vector<1x16xi32> to vector<16xi32>
        %shift_left3A_197 = arith.constant 7 : i32
        %shift_left3A_198 = vector.broadcast %shift_left3A_197 : i32 to vector<16xi32>
        %shift_left3A_199 = arith.shli %get3A_196, %shift_left3A_198 : vector<16xi32>
        %get3A_200 = arith.index_cast %add3A_49 : i32 to index
        %get3A_201 = arith.constant 128 : index
        %get3A_202 = tpu.vector_load %arg7[%get3A_200, %get3A_201] {strides = array<i32>} : memref<128x256xi32, #tpu.memory_space<vmem>>, vector<1x16xi32>,
        %get3A_203 = vector.shape_cast %get3A_202 : vector<1x16xi32> to vector<16xi32>
        %add3A_204 = arith.addi %shift_left3A_199, %get3A_203 : vector<16xi32>
        %add3A_205 = arith.constant 128 : i32
        %add3A_206 = arith.addi %mul3A_51, %add3A_205 : i32
        %swap3A_207 = arith.index_cast %add3A_206 : i32 to index
        %swap3A_208 = tpu.vector_load %arg8[%swap3A_207] {strides = array<i32>} : memref<25616xi32, #tpu.memory_space<vmem>>, vector<16xi32>,
        %swap3A_209 = vector.shape_cast %swap3A_208 : vector<16xi32> to vector<16xi32>
        %swap3A_210 = vector.shape_cast %add3A_204 : vector<16xi32> to vector<16xi32>
        tpu.vector_store %arg8[%swap3A_207], %swap3A_210 {strides = array<i32>} : memref<25616xi32, #tpu.memory_space<vmem>>, vector<16xi32>,
        %get3A_211 = arith.index_cast %add3A_49 : i32 to index
        %get3A_212 = arith.constant 144 : index
        %get3A_213 = tpu.vector_load %arg6[%get3A_211, %get3A_212] {strides = array<i32>} : memref<128x256xi32, #tpu.memory_space<vmem>>, vector<1x16xi32>,
        %get3A_214 = vector.shape_cast %get3A_213 : vector<1x16xi32> to vector<16xi32>
        %shift_left3A_215 = arith.constant 7 : i32
        %shift_left3A_216 = vector.broadcast %shift_left3A_215 : i32 to vector<16xi32>
        %shift_left3A_217 = arith.shli %get3A_214, %shift_left3A_216 : vector<16xi32>
        %get3A_218 = arith.index_cast %add3A_49 : i32 to index
        %get3A_219 = arith.constant 144 : index
        %get3A_220 = tpu.vector_load %arg7[%get3A_218, %get3A_219] {strides = array<i32>} : memref<128x256xi32, #tpu.memory_space<vmem>>, vector<1x16xi32>,
        %get3A_221 = vector.shape_cast %get3A_220 : vector<1x16xi32> to vector<16xi32>
        %add3A_222 = arith.addi %shift_left3A_217, %get3A_221 : vector<16xi32>
        %add3A_223 = arith.constant 144 : i32
        %add3A_224 = arith.addi %mul3A_51, %add3A_223 : i32
        %swap3A_225 = arith.index_cast %add3A_224 : i32 to index
        %swap3A_226 = tpu.vector_load %arg8[%swap3A_225] {strides = array<i32>} : memref<25616xi32, #tpu.memory_space<vmem>>, vector<16xi32>,
        %swap3A_227 = vector.shape_cast %swap3A_226 : vector<16xi32> to vector<16xi32>
        %swap3A_228 = vector.shape_cast %add3A_222 : vector<16xi32> to vector<16xi32>
        tpu.vector_store %arg8[%swap3A_225], %swap3A_228 {strides = array<i32>} : memref<25616xi32, #tpu.memory_space<vmem>>, vector<16xi32>,
        %get3A_229 = arith.index_cast %add3A_49 : i32 to index
        %get3A_230 = arith.constant 160 : index
        %get3A_231 = tpu.vector_load %arg6[%get3A_229, %get3A_230] {strides = array<i32>} : memref<128x256xi32, #tpu.memory_space<vmem>>, vector<1x16xi32>,
        %get3A_232 = vector.shape_cast %get3A_231 : vector<1x16xi32> to vector<16xi32>
        %shift_left3A_233 = arith.constant 7 : i32
        %shift_left3A_234 = vector.broadcast %shift_left3A_233 : i32 to vector<16xi32>
        %shift_left3A_235 = arith.shli %get3A_232, %shift_left3A_234 : vector<16xi32>
        %get3A_236 = arith.index_cast %add3A_49 : i32 to index
        %get3A_237 = arith.constant 160 : index
        %get3A_238 = tpu.vector_load %arg7[%get3A_236, %get3A_237] {strides = array<i32>} : memref<128x256xi32, #tpu.memory_space<vmem>>, vector<1x16xi32>,
        %get3A_239 = vector.shape_cast %get3A_238 : vector<1x16xi32> to vector<16xi32>
        %add3A_240 = arith.addi %shift_left3A_235, %get3A_239 : vector<16xi32>
        %add3A_241 = arith.constant 160 : i32
        %add3A_242 = arith.addi %mul3A_51, %add3A_241 : i32
        %swap3A_243 = arith.index_cast %add3A_242 : i32 to index
        %swap3A_244 = tpu.vector_load %arg8[%swap3A_243] {strides = array<i32>} : memref<25616xi32, #tpu.memory_space<vmem>>, vector<16xi32>,
        %swap3A_245 = vector.shape_cast %swap3A_244 : vector<16xi32> to vector<16xi32>
        %swap3A_246 = vector.shape_cast %add3A_240 : vector<16xi32> to vector<16xi32>
        tpu.vector_store %arg8[%swap3A_243], %swap3A_246 {strides = array<i32>} : memref<25616xi32, #tpu.memory_space<vmem>>, vector<16xi32>,
        %get3A_247 = arith.index_cast %add3A_49 : i32 to index
        %get3A_248 = arith.constant 176 : index
        %get3A_249 = tpu.vector_load %arg6[%get3A_247, %get3A_248] {strides = array<i32>} : memref<128x256xi32, #tpu.memory_space<vmem>>, vector<1x16xi32>,
        %get3A_250 = vector.shape_cast %get3A_249 : vector<1x16xi32> to vector<16xi32>
        %shift_left3A_251 = arith.constant 7 : i32
        %shift_left3A_252 = vector.broadcast %shift_left3A_251 : i32 to vector<16xi32>
        %shift_left3A_253 = arith.shli %get3A_250, %shift_left3A_252 : vector<16xi32>
        %get3A_254 = arith.index_cast %add3A_49 : i32 to index
        %get3A_255 = arith.constant 176 : index
        %get3A_256 = tpu.vector_load %arg7[%get3A_254, %get3A_255] {strides = array<i32>} : memref<128x256xi32, #tpu.memory_space<vmem>>, vector<1x16xi32>,
        %get3A_257 = vector.shape_cast %get3A_256 : vector<1x16xi32> to vector<16xi32>
        %add3A_258 = arith.addi %shift_left3A_253, %get3A_257 : vector<16xi32>
        %add3A_259 = arith.constant 176 : i32
        %add3A_260 = arith.addi %mul3A_51, %add3A_259 : i32
        %swap3A_261 = arith.index_cast %add3A_260 : i32 to index
        %swap3A_262 = tpu.vector_load %arg8[%swap3A_261] {strides = array<i32>} : memref<25616xi32, #tpu.memory_space<vmem>>, vector<16xi32>,
        %swap3A_263 = vector.shape_cast %swap3A_262 : vector<16xi32> to vector<16xi32>
        %swap3A_264 = vector.shape_cast %add3A_258 : vector<16xi32> to vector<16xi32>
        tpu.vector_store %arg8[%swap3A_261], %swap3A_264 {strides = array<i32>} : memref<25616xi32, #tpu.memory_space<vmem>>, vector<16xi32>,
        %get3A_265 = arith.index_cast %add3A_49 : i32 to index
        %get3A_266 = arith.constant 192 : index
        %get3A_267 = tpu.vector_load %arg6[%get3A_265, %get3A_266] {strides = array<i32>} : memref<128x256xi32, #tpu.memory_space<vmem>>, vector<1x16xi32>,
        %get3A_268 = vector.shape_cast %get3A_267 : vector<1x16xi32> to vector<16xi32>
        %shift_left3A_269 = arith.constant 7 : i32
        %shift_left3A_270 = vector.broadcast %shift_left3A_269 : i32 to vector<16xi32>
        %shift_left3A_271 = arith.shli %get3A_268, %shift_left3A_270 : vector<16xi32>
        %get3A_272 = arith.index_cast %add3A_49 : i32 to index
        %get3A_273 = arith.constant 192 : index
        %get3A_274 = tpu.vector_load %arg7[%get3A_272, %get3A_273] {strides = array<i32>} : memref<128x256xi32, #tpu.memory_space<vmem>>, vector<1x16xi32>,
        %get3A_275 = vector.shape_cast %get3A_274 : vector<1x16xi32> to vector<16xi32>
        %add3A_276 = arith.addi %shift_left3A_271, %get3A_275 : vector<16xi32>
        %add3A_277 = arith.constant 192 : i32
        %add3A_278 = arith.addi %mul3A_51, %add3A_277 : i32
        %swap3A_279 = arith.index_cast %add3A_278 : i32 to index
        %swap3A_280 = tpu.vector_load %arg8[%swap3A_279] {strides = array<i32>} : memref<25616xi32, #tpu.memory_space<vmem>>, vector<16xi32>,
        %swap3A_281 = vector.shape_cast %swap3A_280 : vector<16xi32> to vector<16xi32>
        %swap3A_282 = vector.shape_cast %add3A_276 : vector<16xi32> to vector<16xi32>
        tpu.vector_store %arg8[%swap3A_279], %swap3A_282 {strides = array<i32>} : memref<25616xi32, #tpu.memory_space<vmem>>, vector<16xi32>,
      }
      %scan3A_37 = arith.constant 8 : i32
      %ge3A = arith.constant 8 : i32
      %ge3A_38 = arith.cmpi sge, %scan3A_30, %ge3A : i32
      %convert_element_type3A = arith.extui %ge3A_38 : i1 to i32
      %cond3A = arith.constant 0 : i32
      %cond3A_39 = arith.cmpi ne, %convert_element_type3A, %cond3A : i32
      scf.if %cond3A_39 {
        %sub3A = arith.constant 8 : i32
        %sub3A_48 = arith.subi %scan3A_30, %sub3A : i32
        %mul3A_49 = arith.constant 1600 : i32
        %mul3A_50 = arith.muli %sub3A_48, %mul3A_49 : i32
        %mul3A_51 = arith.constant 1600 : i32
        %mul3A_52 = arith.muli %sub3A_48, %mul3A_51 : i32
        %dma_wait3A_53 = tpu.memref_slice %arg9[%mul3A_52] : memref<25616xf32, #tpu.memory_space<vmem>> -> memref<1600xf32, #tpu.memory_space<vmem>>
        %dma_wait3A_54 = tpu.memref_slice %arg8[%mul3A_50] : memref<25616xi32, #tpu.memory_space<vmem>> -> memref<1600xi32, #tpu.memory_space<vmem>>
        %dma_wait3A_55 = arith.constant 0 : i32
        %dma_wait3A_56 = tpu.memref_slice %arg2[%dma_wait3A_55] : memref<12800000xf32, #tpu.memory_space<hbm>> -> memref<12800000xf32, #tpu.memory_space<hbm>>
        tpu.wait_indirect_dma semaphore(%arg10 : memref<!tpu.dma_semaphore, #tpu.memory_space<semaphore_mem>>) src(%dma_wait3A_56 : memref<12800000xf32, #tpu.memory_space<hbm>>) dst(%dma_wait3A_53 : memref<1600xf32, #tpu.memory_space<vmem>>)
      } else {
      }
      %mul3A_40 = arith.constant 1600 : i32
      %mul3A_41 = arith.muli %scan3A_30, %mul3A_40 : i32
      %mul3A_42 = arith.constant 1600 : i32
      %mul3A_43 = arith.muli %scan3A_30, %mul3A_42 : i32
      %dma_start3A_44 = tpu.memref_slice %arg9[%mul3A_43] : memref<25616xf32, #tpu.memory_space<vmem>> -> memref<1600xf32, #tpu.memory_space<vmem>>
      %dma_start3A_45 = tpu.memref_slice %arg8[%mul3A_41] : memref<25616xi32, #tpu.memory_space<vmem>> -> memref<1600xi32, #tpu.memory_space<vmem>>
      %dma_start3A_46 = arith.constant 0 : i32
      %dma_start3A_47 = tpu.memref_slice %arg2[%dma_start3A_46] : memref<12800000xf32, #tpu.memory_space<hbm>> -> memref<12800000xf32, #tpu.memory_space<hbm>>
      tpu.enqueue_indirect_dma source(%dma_start3A_47 : memref<12800000xf32, #tpu.memory_space<hbm>>) target(%dma_start3A_44 : memref<1600xf32, #tpu.memory_space<vmem>>) offsets(%dma_start3A_45 : memref<1600xi32, #tpu.memory_space<vmem>>) semaphore(%arg10 : memref<!tpu.dma_semaphore, #tpu.memory_space<semaphore_mem>>)
    }
    %scan3A_23 = arith.constant 16 : i32
    %scan3A_24 = arith.constant 0 : i32
    %scan3A_25 = arith.constant 8 : i32
    %scan3A_26 = arith.constant 8 : i32
    %scan3A_27 = arith.addi %scan3A_25, %scan3A_26 : i32
    %scan3A_28 = arith.constant 1 : i32
    scf.for %scan3A_30 = %scan3A_25 to %scan3A_27 step %scan3A_28  : i32 {
      %mul3A_31 = arith.constant 1600 : i32
      %mul3A_32 = arith.muli %scan3A_30, %mul3A_31 : i32
      %mul3A_33 = arith.constant 1600 : i32
      %mul3A_34 = arith.muli %scan3A_30, %mul3A_33 : i32
      %dma_wait3A_35 = tpu.memref_slice %arg9[%mul3A_34] : memref<25616xf32, #tpu.memory_space<vmem>> -> memref<1600xf32, #tpu.memory_space<vmem>>
      %dma_wait3A_36 = tpu.memref_slice %arg8[%mul3A_32] : memref<25616xi32, #tpu.memory_space<vmem>> -> memref<1600xi32, #tpu.memory_space<vmem>>
      %dma_wait3A_37 = arith.constant 0 : i32
      %dma_wait3A_38 = tpu.memref_slice %arg2[%dma_wait3A_37] : memref<12800000xf32, #tpu.memory_space<hbm>> -> memref<12800000xf32, #tpu.memory_space<hbm>>
      tpu.wait_indirect_dma semaphore(%arg10 : memref<!tpu.dma_semaphore, #tpu.memory_space<semaphore_mem>>) src(%dma_wait3A_38 : memref<12800000xf32, #tpu.memory_space<hbm>>) dst(%dma_wait3A_35 : memref<1600xf32, #tpu.memory_space<vmem>>)
    }
    %scan3A_29 = arith.constant 8 : i32
    "tpu.region"() ({
      %run_scoped3A = tpu.sem_alloc : memref<!tpu.dma_semaphore, #tpu.memory_space<semaphore_mem>>
      %dma_start3A_30 = arith.constant 0 : i32
      %dma_start3A_31 = tpu.memref_slice %arg9[%dma_start3A_30] : memref<25616xf32, #tpu.memory_space<vmem>> -> memref<25600xf32, #tpu.memory_space<vmem>>
      %dma_start3A_32 = tpu.memref_slice %arg5[%mul3A_4] : memref<819200xf32, #tpu.memory_space<hbm>> -> memref<25600xf32, #tpu.memory_space<hbm>>
      %dma_start3A_33 = tpu.memref_slice %arg5[%mul3A_4] : memref<819200xf32, #tpu.memory_space<hbm>> -> memref<25600xf32, #tpu.memory_space<hbm>>
      %dma_start3A_34 = arith.constant 0 : i32
      %dma_start3A_35 = tpu.memref_slice %arg9[%dma_start3A_34] : memref<25616xf32, #tpu.memory_space<vmem>> -> memref<25600xf32, #tpu.memory_space<vmem>>
      tpu.enqueue_dma source(%dma_start3A_35 : memref<25600xf32, #tpu.memory_space<vmem>>) target(%dma_start3A_33 : memref<25600xf32, #tpu.memory_space<hbm>>) target_semaphore(%run_scoped3A : memref<!tpu.dma_semaphore, #tpu.memory_space<semaphore_mem>>)
      %dma_wait3A_36 = arith.constant 0 : i32
      %dma_wait3A_37 = tpu.memref_slice %arg9[%dma_wait3A_36] : memref<25616xf32, #tpu.memory_space<vmem>> -> memref<25600xf32, #tpu.memory_space<vmem>>
      %dma_wait3A_38 = tpu.memref_slice %arg5[%mul3A_4] : memref<819200xf32, #tpu.memory_space<hbm>> -> memref<25600xf32, #tpu.memory_space<hbm>>
      %dma_wait3A_39 = tpu.memref_slice %arg5[%mul3A_4] : memref<819200xf32, #tpu.memory_space<hbm>> -> memref<25600xf32, #tpu.memory_space<hbm>>
      %dma_wait3A_40 = arith.constant 0 : i32
      %dma_wait3A_41 = tpu.memref_slice %arg9[%dma_wait3A_40] : memref<25616xf32, #tpu.memory_space<vmem>> -> memref<25600xf32, #tpu.memory_space<vmem>>
      tpu.wait_dma2 semaphore(%run_scoped3A : memref<!tpu.dma_semaphore, #tpu.memory_space<semaphore_mem>>) src(%dma_wait3A_41 : memref<25600xf32, #tpu.memory_space<vmem>>) dst(%dma_wait3A_39 : memref<25600xf32, #tpu.memory_space<hbm>>)
      tpu.yield
    }) : () -> ()
    return
  }
}

</mosaic_0001>

<sc_bundles>
// kernel: kernel.3.cloned.1.call-start
scs
__scs_entry_jumppad:
0x0: {  	(pc) =	sbr.rel $0x88, $3  }
0x1: {  	(tag) =	ssettag $0x0;
	lr =	simm.s32 $0x1  }
0x2: {  	[smem:$0x3F9E] =	sst lr;
	_ =	strace $0xD0000000  }
0x3: {  	_ = 	snop  }
0x4: {  	_ = 	snop  }
0x5: {  	_ = 	snop  }
0x6: {  	_ = 	snop  }
0x7: {  	_ = 	snop  }
__scs_overlays_trampoline_lowered:
0x8: {  	[smem:$0x3FAD] =	sst s0  }
0x9: {  	[smem:$0x3FAE] =	sst s1  }
0xa: {  	[smem:$0x3FAF] =	sst s2  }
0xb: {  	[smem:$0x3FB0] =	sst s3  }
0xc: {  	[smem:$0x3FB1] =	sst s4  }
0xd: {  	[smem:$0x3FB2] =	sst s5  }
0xe: {  	[smem:$0x3FB3] =	sst s6  }
0xf: {  	[smem:$0x3FB4] =	sst s7  }
0x10: {  	[smem:$0x3FB5] =	sst s8  }
0x11: {  	[smem:$0x3FB6] =	sst s9;
	s0 =	simm.s32 @!p0 $0x0  }
0x12: {  	s1 =	sld [smem:$0x3F9C];
	s0 =	simm.s32 @p0 $0x1  }
0x13: {  	[smem:$0x3FB7] =	sst s0;
	s0 =	simm.s32 @!p1 $0x0  }
0x14: {  	s2 =	sld [smem:$0x3F9B];
	s0 =	simm.s32 @p1 $0x1  }
0x15: {  	[smem:$0x3FB8] =	sst s0;
	s0 =	simm.s32 @!p2 $0x0  }
0x16: {  	s3 =	sld [smem:$0x3FDB];
	s0 =	simm.s32 @p2 $0x1  }
0x17: {  	s4 =	simm.s32 $0x1BF5;
	[smem:$0x3FBA] =	sst s0  }
0x18: {  	s0 =	sld [smem:$0x3F9D];
	_ =	swait.ge [sflag:s4], $0x0  }
0x19: {  	s7 =	sld [smem:$0x3F9E]  }
0x1a: {  	s8 =	sadd.s32 $0xFFFFE003, lr  }
0x1b: {  	s9 =	sadd.s32 $0xFFFFFEF7, lr;
	s5 =	simm.s32 $0xFFFFFFFF;
	p2 =	slt.u32 s8, $0xFFFFF086  }
0x1c: {  	p1 =	slt.u32 s9, $0xF7A;
	s5 =	simm.s32 @!p2 $0x0  }
0x1d: {  	s5 =	simm.s32 @p1 $0x1;
	p0 =	seq.s32 s7, s2  }
0x1e: {  	s7 =	smul.u32 @!p0 $0xF7A, s2;
	p2 =	seq.s32 @!p0 s5, $0x0  }
0x1f: {  	s9 =	smul.u32 $0xF7A, s1;
	s8 =	simm.s32 @!p0 $0x1BF5;
	p2 =	por !p2, p0  }
0x20: {  	[sflag:s8] =	ssyncset.s32 @!p0 $0xFFFFF086;
	s6 =	sadd.s32 @!p0 s3, s7;
	s7 =	simm.s32 @!p0 $0x108  }
0x21: {  	s3 =	sadd.s32 s3, s9;
	s6 =	sadd.s32 @!p0 $0x88, s6;
	s7 =	simm.s32 @p2 $0x1082  }
0x22: {  	[simem:s7], [sflag:s8] =	dma.local @!p0 [hbm:s6], $0xF7A  }
0x23: {  	s9 =	sor.u32 $0xD0000000, s2;
	s6 =	simm.s32 $0x108;
	_ =	swait.ge @!p0 [sflag:s8], $0x0  }
0x24: {  	s3 =	sadd.s32 $0x88, s3;
	s6 =	simm.s32 @!p1 $0x1082;
	[sflag:s4] =	ssyncset.s32 $0xFFFFF086  }
0x25: {  	[simem:s6], [sflag:s4] =	dma.local [hbm:s3], $0xF7A  }
0x26: {  	[smem:$0x3F9E] =	sst s1;
	(tag) =	ssettag s2;
	_ =	strace s9  }
0x27: {  	s1 =	sld [smem:$0x3FAE]  }
0x28: {  	s2 =	sld [smem:$0x3FAF]  }
0x29: {  	s4 =	sld [smem:$0x3FB1]  }
0x2a: {  	p0 =	seq.s32 s5, $0x0;
	s5 =	sld [smem:$0x3FB2]  }
0x2b: {  	s6 =	sld [smem:$0x3FB3]  }
0x2c: {  	s7 =	sld [smem:$0x3FB4]  }
0x2d: {  	s3 =	simm.s32 $0x108;
	s8 =	sld [smem:$0x3FB5]  }
0x2e: {  	s3 =	simm.s32 @!p0 $0x1082;
	s9 =	sld [smem:$0x3FB6]  }
0x2f: {  	lr =	sadd.s32 s0, s3;
	s0 =	sld [smem:$0x3FAD]  }
0x30: {  	s3 =	sld [smem:$0x3FB0]  }
0x31: {  	[smem:$0x3FB9] =	sst s10  }
0x32: {  	s10 =	sld [smem:$0x3FB7];
	_ =	sdelay $0x3  }
0x33: {  	p0 =	seq.s32 s10, $0x1;
	s10 =	sld [smem:$0x3FB9];
	_ =	sdelay $0x3  }
0x34: {  	[smem:$0x3FB9] =	sst s10  }
0x35: {  	s10 =	sld [smem:$0x3FB8];
	_ =	sdelay $0x3  }
0x36: {  	p1 =	seq.s32 s10, $0x1;
	s10 =	sld [smem:$0x3FB9];
	_ =	sdelay $0x3  }
0x37: {  	[smem:$0x3FB9] =	sst s10  }
0x38: {  	s10 =	sld [smem:$0x3FBA]  }
0x39: {  	_ = 	snop;
	(pc) =	sbr.ind lr, $3  }
0x3a: {  	_ = 	snop  }
0x3b: {  	_ = 	snop  }
0x3c: {  	p2 =	seq.s32 s10, $0x1;
	s10 =	sld [smem:$0x3FB9]  }
0x3d: {  	_ =	shalt  }
0x3e: {  	_ =	shalt  }
0x3f: {  	_ =	shalt  }
0x40: {  	_ =	shalt  }
0x41: {  	_ =	shalt  }
0x42: {  	_ =	shalt  }
0x43: {  	_ =	shalt  }
0x44: {  	_ =	shalt  }
0x45: {  	_ =	shalt  }
0x46: {  	_ =	shalt  }
0x47: {  	_ =	shalt  }
0x48: {  	_ =	shalt  }
0x49: {  	_ =	shalt  }
0x4a: {  	_ =	shalt  }
0x4b: {  	_ =	shalt  }
0x4c: {  	_ =	shalt  }
0x4d: {  	_ =	shalt  }
0x4e: {  	_ =	shalt  }
0x4f: {  	_ =	shalt  }
0x50: {  	_ =	shalt  }
0x51: {  	_ =	shalt  }
0x52: {  	_ =	shalt  }
0x53: {  	_ =	shalt  }
0x54: {  	_ =	shalt  }
0x55: {  	_ =	shalt  }
0x56: {  	_ =	shalt  }
0x57: {  	_ =	shalt  }
0x58: {  	_ =	shalt  }
0x59: {  	_ =	shalt  }
0x5a: {  	_ =	shalt  }
0x5b: {  	_ =	shalt  }
0x5c: {  	_ =	shalt  }
0x5d: {  	_ =	shalt  }
0x5e: {  	_ =	shalt  }
0x5f: {  	_ =	shalt  }
0x60: {  	_ =	shalt  }
0x61: {  	_ =	shalt  }
0x62: {  	_ =	shalt  }
0x63: {  	_ =	shalt  }
0x64: {  	_ =	shalt  }
0x65: {  	_ =	shalt  }
0x66: {  	_ =	shalt  }
0x67: {  	_ =	shalt  }
0x68: {  	_ =	shalt  }
0x69: {  	_ =	shalt  }
0x6a: {  	_ =	shalt  }
0x6b: {  	_ =	shalt  }
0x6c: {  	_ =	shalt  }
0x6d: {  	_ =	shalt  }
0x6e: {  	_ =	shalt  }
0x6f: {  	_ =	shalt  }
0x70: {  	_ =	shalt  }
0x71: {  	_ =	shalt  }
0x72: {  	_ =	shalt  }
0x73: {  	_ =	shalt  }
0x74: {  	_ =	shalt  }
0x75: {  	_ =	shalt  }
0x76: {  	_ =	shalt  }
0x77: {  	_ =	shalt  }
0x78: {  	_ =	shalt  }
0x79: {  	_ =	shalt  }
0x7a: {  	_ =	shalt  }
0x7b: {  	_ =	shalt  }
0x7c: {  	_ =	shalt  }
0x7d: {  	_ =	shalt  }
0x7e: {  	_ =	shalt  }
0x7f: {  	_ =	shalt  }
0x80: {  	_ =	shalt  }
0x81: {  	_ =	shalt  }
0x82: {  	_ =	shalt  }
0x83: {  	_ =	shalt  }
0x84: {  	_ =	shalt  }
0x85: {  	_ =	shalt  }
0x86: {  	_ =	shalt  }
0x87: {  	_ =	shalt  }
.Lfunc_end0:
.L_simem_size_0:
called_computation_lowered:
.L_overlay_start_0:
0x88: {  	s2 =	sld [smem:$0x3FD9]  }
0x89: {  	s3 =	sld [smem:$0x3FFE];
	_ =	sdelay $0x1  }
0x8a: {  	s1 =	srdreg.scid  }
0x8b: {  	s0 =	sand.u32 $0x1, s1  }
0x8c: {  	s17 =	sshll.u32 s0, $0xA;
	s2 =	sadd.s32 s3, s2  }
0x8d: {  	s2 =	sadd.s32 s2, s17  }
0x8e: {  	[smem:$0x3FC5] =	sst s2  }
0x8f: {  	_ = 	snop  }
0x90: {  	s2 =	sld [smem:$0x3FC9]  }
0x91: {  	s18 =	sld [smem:$0x3FD0];
	(tm) =	ssettm $0x1  }
0x92: {  	s4 =	sld [smem:$0x3FFB];
	_ =	sdelay $0x3  }
0x93: {  	_ =	strace s4  }
0x94: {  	s4 =	sld [smem:$0x3FFC];
	_ =	sdelay $0x3  }
0x95: {  	_ =	strace s4  }
0x96: {  	s4 =	sld [smem:$0x3FFD];
	_ =	sdelay $0x3  }
0x97: {  	_ =	strace s4  }
0x98: {  	_ =	strace $0x8FFFFFFF  }
0x99: {  	s19 =	sld [smem:$0x3FDB];
	_ =	sdelay $0x1  }
0x9a: {  	s5 =	simm.s32 $_scs_section_size  }
0x9b: {  	s6 =	simm.s32 $_size__tile_overlayer_lowered;
	s7 =	simm.s32 $_tile_overlayer_lowered  }
0x9c: {  	s22 =	simm.s32 $0x1BFF;
	s21 =	sshll.u32 s7, $0x1;
	s4 =	sadd.s32 s5, s19  }
0x9d: {  	s8 =	simm.s32 $0x0;
	s20 =	sshll.u32 s6, $0x1;
	s6 =	sadd.s32 s21, s4  }
0x9e: {  	[timem:s8], [sflag:s22] =	dma.local [hbm:s6], s20  }
0x9f: {  	_ =	swait.ge [sflag:s22], s20  }
0xa0: {  	s5 =	ssub.s32 $0x0, s20;
	[sflag:s22] =	ssyncset.done $0x0  }
0xa1: {  	[sflag:s22] =	ssyncadd.s32 s5;
	_ =	sdelay $0x1  }
0xa2: {  	s23 =	simm.s32 $0x1B8B  }
0xa3: {  	_ =	swait.ge [sflag:s23], $0x1  }
0xa4: {  	[sflag:s23] =	ssyncset.done $0x0  }
0xa5: {  	s25 =	simm.s32 $0x1B8E;
	s24 =	sld [smem:$0x3FFE];
	[sflag:s23] =	ssyncadd.s32 $0xFFFFFFFF  }
0xa6: {  	s26 =	simm.s32 $execute0_lowered;
	[smem:$0x3FD2] =	sst s25  }
0xa7: {  	s6 =	sshll.u32 s26, $0x1;
	_ =	strace $0x80000046;
	[dreg:$0x1] =	wrdreg $0xFFFFFFFF  }
0xa8: {  	s28 =	simm.s32 $_size_execute0_lowered;
	s4 =	sadd.s32 s4, s6;
	[dreg:$0x0] =	wrdreg $0x0  }
0xa9: {  	s6 =	sshll.u32 s28, $0x1;
	[dreg:$0x2] =	wrdreg s4  }
0xaa: {  	[dreg:$0x3] =	wrdreg s6  }
0xab: {  	[dreg:$0x4] =	wrdreg $0xC0  }
0xac: {  	_ =	task [dreg:s8], $0x5FFFF  }
0xad: {  	[dreg:$0x1] =	wrdreg $0xFFFFFFFF  }
0xae: {  	[dreg:$0x0] =	wrdreg $0x60  }
0xaf: {  	[dreg:$0x2] =	wrdreg s2  }
0xb0: {  	[dreg:$0x3] =	wrdreg s24  }
0xb1: {  	[dreg:$0x4] =	wrdreg s18  }
0xb2: {  	[dreg:$0x5] =	wrdreg $0x9  }
0xb3: {  	_ =	task.clear_ibuf [dreg:s8], $0x6FFFF;
	_ =	strace $0x90000046  }
0xb4: {  	s29 =	simm.s32 $0x9;
	_ =	strace $0x80000048  }
0xb5: {  	_ =	swait.ge [sflag:s29], $0x1  }
0xb6: {  	[sflag:s29] =	ssyncadd.s32 $0xFFFFFFFF  }
0xb7: {  	_ =	strace $0x90000048  }
0xb8: {  	_ =	sfence  }
0xb9: {  	s30 =	sld [smem:$0x0];
	_ =	sdelay $0x2  }
0xba: {  	s31 =	sshll.u32 s1, $0xD;
	s1 =	sshrl.u32 s1, $0x2  }
0xbb: {  	s3 =	sand.u32 $0x4000, s31;
	s1 =	sadd.s32 s1, s30  }
0xbc: {  	s0 =	sor.u32 s3, s0;
	s1 =	sshll.u32 s1, $0x11  }
0xbd: {  	s0 =	sor.u32 s1, s0  }
0xbe: {  	s0 =	sadd.s32 $0x8F2B, s0  }
0xbf: {  	[sflag:s0] =	ssyncadd.remote.s32 $0x1  }
0xc0: {  	_ =	sfence.sel $0xFFFF  }
0xc1: {  	[dreg:$0x0] =	wrdreg $0xFFFFFFFF;
	(pc) =	sbr.abs _section_cstart, $3  }
0xc2: {  	[dreg:$0x1] =	wrdreg $0xFFFFFFFF  }
0xc3: {  	_ =	task.clear_ibuf [dreg:s8], $0x2FFFF;
	_ =	strace $0x9FFFFFFF  }
0xc4: {  	(tm) =	ssettm $0x7FFFFFFF  }
0xc5: {  	_ =	shalt  }
tec
execute0_lowered:
.L_overlay_start_1:
0x0: {  	(tag) =	ssettag $0x1  }
0x1: {  	s1 =	rddreg [dreg:$0x0]  }
0x2: {  	s4 =	rddreg [dreg:$0x1]  }
0x3: {  	s6 =	rddreg [dreg:$0x2]  }
0x4: {  	s0 =	rddreg [dreg:$0x3];
	s5 =	srdreg.scid  }
0x5: {  	s2 =	stileid.u32;
	s3 =	simm.s32 $0x0;
	s10 =	simm.s32 $0x640  }
0x6: {  	s11 =	simm.s32 $0x1;
	s12 =	simm.s32 $0x16480;
	s13 =	simm.s32 $0x3  }
0x7: {  	s14 =	simm.s32 $0x0;
	s5 =	sand.u32 $0x1, s5;
	s7 =	sshll.u32 s2, $0x1  }
0x8: {  	[smem:$0x7FF] =	sst s3;
	s7 =	sor.u32 s5, s7;
	s5 =	ssub.s32 $0x2, s5  }
0x9: {  	s8 =	sshll.u32 s7, $0xC;
	s31 =	sshrl.u32 s5, $0x1;
	s7 =	smul.u32 $0xC80, s7  }
0xa: {  	_ =	strace $0x80000047;
	s8 =	sadd.s32 s8, s4;
	s9 =	ssub.s32 s5, s31  }
0xb: {  	s4 =	sadd.s32 $0x600, s8;
	s5 =	sadd.s32 $0x20600, s8;
	s6 =	sadd.s32 s6, s7  }
0xc: {  	s7 =	smax.u32 s9, $0x1;
	s8 =	simm.s32 $0x8000;
	s9 =	simm.s32 $0x2  }
.LBB2_1:
0xd: {  	[tilespmem:s3], [sflag:$0x2] =	stream.linear.gather [hbm4b:s4+s3], $0x8000, $0x38;
	[tilespmem:$0x1C900] =	vst v63  }
0xe: {  	_ = 	snop  }
0xf: {  	[tilespmem:s8], [sflag:$0x2] =	stream.linear.gather [hbm4b:s5+s3], $0x8000, $0x38;
	[tilespmem:$0x1C900] =	vst v63  }
0x10: {  	_ =	swait.ge [sflag:s9], $0x8000  }
0x11: {  	[sflag:s9] =	ssyncset.done $0x0  }
0x12: {  	[sflag:s9] =	ssyncadd.s32 $0xFFFF8000  }
0x13: {  	s15 =	simm.s32 $0x10060;
	_ =	swait.ge [sflag:s9], $0x8000  }
0x14: {  	s16 =	simm.s32 $0x440;
	s17 =	simm.s32 $0x8440;
	[sflag:s9] =	ssyncset.done $0x0  }
0x15: {  	s18 =	simm.s32 $0x0;
	s19 =	simm.s32 $0x0;
	[sflag:s9] =	ssyncadd.s32 $0xFFFF8000  }
.LBB2_2:
0x16: {  	v0 =	vmov s16  }
0x17: {  	v1 =	vmov s17;
	_ =	sdelay $0x2  }
0x18: {  	s20 =	simm.s32 $0xFFFFFC00  }
0x19: {  	v2 =	vld.idx.msk [tilespmem:v0+s20+$0xFFFFFFC0 ss:$0x1], $0xffff  }
0x1a: {  	v3 =	vld.idx.msk [tilespmem:v1+s20+$0xFFFFFFC0 ss:$0x1], $0xffff;
	_ =	sdelay $0x3  }
0x1b: {  	v2 =	vshll.u32 v2, $0x7  }
0x1c: {  	v2 =	vadd.s32 v3, v2  }
0x1d: {  	[tilespmem:s15+$0xFFFFFFA0] =	vst v2  }
0x1e: {  	v2 =	vld.idx.msk [tilespmem:v0+s20+$0xFFFFFFD0 ss:$0x1], $0xffff  }
0x1f: {  	v3 =	vld.idx.msk [tilespmem:v1+s20+$0xFFFFFFD0 ss:$0x1], $0xffff;
	_ =	sdelay $0x3  }
0x20: {  	v2 =	vshll.u32 v2, $0x7  }
0x21: {  	v2 =	vadd.s32 v3, v2  }
0x22: {  	[tilespmem:s15+$0xFFFFFFB0] =	vst v2  }
0x23: {  	v2 =	vld.idx.msk [tilespmem:v0+s20+$0xFFFFFFE0 ss:$0x1], $0xffff  }
0x24: {  	v3 =	vld.idx.msk [tilespmem:v1+s20+$0xFFFFFFE0 ss:$0x1], $0xffff;
	_ =	sdelay $0x3  }
0x25: {  	v2 =	vshll.u32 v2, $0x7  }
0x26: {  	v2 =	vadd.s32 v3, v2  }
0x27: {  	[tilespmem:s15+$0xFFFFFFC0] =	vst v2  }
0x28: {  	v2 =	vld.idx.msk [tilespmem:v0+s20+$0xFFFFFFF0 ss:$0x1], $0xffff  }
0x29: {  	v3 =	vld.idx.msk [tilespmem:v1+s20+$0xFFFFFFF0 ss:$0x1], $0xffff;
	_ =	sdelay $0x3  }
0x2a: {  	v2 =	vshll.u32 v2, $0x7  }
0x2b: {  	v2 =	vadd.s32 v3, v2  }
0x2c: {  	[tilespmem:s15+$0xFFFFFFD0] =	vst v2  }
0x2d: {  	v2 =	vld.idx.msk [tilespmem:v0+s20+$0x0 ss:$0x1], $0xffff  }
0x2e: {  	v3 =	vld.idx.msk [tilespmem:v1+s20+$0x0 ss:$0x1], $0xffff;
	_ =	sdelay $0x3  }
0x2f: {  	v2 =	vshll.u32 v2, $0x7  }
0x30: {  	v2 =	vadd.s32 v3, v2  }
0x31: {  	[tilespmem:s15+$0xFFFFFFE0] =	vst v2  }
0x32: {  	v2 =	vld.idx.msk [tilespmem:v0+s20+$0x10 ss:$0x1], $0xffff  }
0x33: {  	v3 =	vld.idx.msk [tilespmem:v1+s20+$0x10 ss:$0x1], $0xffff;
	_ =	sdelay $0x3  }
0x34: {  	v2 =	vshll.u32 v2, $0x7  }
0x35: {  	v2 =	vadd.s32 v3, v2  }
0x36: {  	[tilespmem:s15+$0xFFFFFFF0] =	vst v2  }
0x37: {  	v2 =	vld.idx.msk [tilespmem:v0+s20+$0x20 ss:$0x1], $0xffff  }
0x38: {  	v3 =	vld.idx.msk [tilespmem:v1+s20+$0x20 ss:$0x1], $0xffff;
	_ =	sdelay $0x3  }
0x39: {  	v2 =	vshll.u32 v2, $0x7  }
0x3a: {  	v2 =	vadd.s32 v3, v2  }
0x3b: {  	[tilespmem:s15+$0x0] =	vst v2  }
0x3c: {  	v2 =	vld.idx.msk [tilespmem:v0+s20+$0x30 ss:$0x1], $0xffff  }
0x3d: {  	v3 =	vld.idx.msk [tilespmem:v1+s20+$0x30 ss:$0x1], $0xffff;
	_ =	sdelay $0x3  }
0x3e: {  	v2 =	vshll.u32 v2, $0x7  }
0x3f: {  	v2 =	vadd.s32 v3, v2  }
0x40: {  	[tilespmem:s15+$0x10] =	vst v2  }
0x41: {  	v2 =	vld.idx.msk [tilespmem:v0+s20+$0x3C0 ss:$0x1], $0xffff  }
0x42: {  	v3 =	vld.idx.msk [tilespmem:v1+s20+$0x3C0 ss:$0x1], $0xffff;
	_ =	sdelay $0x3  }
0x43: {  	v2 =	vshll.u32 v2, $0x7  }
0x44: {  	s21 =	sand.u32 $0x7FF8, s18;
	v2 =	vadd.s32 v3, v2  }
0x45: {  	[tilespmem:s21+$0x10080] =	vst v2  }
0x46: {  	v2 =	vld.idx.msk [tilespmem:v0+s20+$0x3D0 ss:$0x1], $0xffff  }
0x47: {  	v3 =	vld.idx.msk [tilespmem:v1+s20+$0x3D0 ss:$0x1], $0xffff;
	_ =	sdelay $0x3  }
0x48: {  	v2 =	vshll.u32 v2, $0x7  }
0x49: {  	v2 =	vadd.s32 v3, v2  }
0x4a: {  	[tilespmem:s15+$0x30] =	vst v2  }
0x4b: {  	v2 =	vld.idx.msk [tilespmem:v0+s20+$0x3E0 ss:$0x1], $0xffff  }
0x4c: {  	v3 =	vld.idx.msk [tilespmem:v1+s20+$0x3E0 ss:$0x1], $0xffff;
	_ =	sdelay $0x3  }
0x4d: {  	v2 =	vshll.u32 v2, $0x7  }
0x4e: {  	v2 =	vadd.s32 v3, v2  }
0x4f: {  	[tilespmem:s15+$0x40] =	vst v2  }
0x50: {  	v2 =	vld.idx.msk [tilespmem:v0+s20+$0x3F0 ss:$0x1], $0xffff  }
0x51: {  	v3 =	vld.idx.msk [tilespmem:v1+s20+$0x3F0 ss:$0x1], $0xffff;
	_ =	sdelay $0x3  }
0x52: {  	v2 =	vshll.u32 v2, $0x7  }
0x53: {  	v2 =	vadd.s32 v3, v2  }
0x54: {  	[tilespmem:s15+$0x50] =	vst v2  }
0x55: {  	v2 =	vld.idx.msk [tilespmem:v0+s20+$0x400 ss:$0x1], $0xffff  }
0x56: {  	v3 =	vld.idx.msk [tilespmem:v1+s20+$0x400 ss:$0x1], $0xffff;
	_ =	sdelay $0x3  }
0x57: {  	s22 =	simm.s32 $0xFFFFF200;
	v2 =	vshll.u32 v2, $0x7  }
0x58: {  	s25 =	simm.s32 $0xFFFFF400;
	s21 =	smov.u32 s15;
	s20 =	sadd.s32 $0xC8, s18;
	v2 =	vadd.s32 v3, v2  }
.LBB2_3:
0x59: {  	s24 =	sshra.s32 s22, $0x2  }
0x5a: {  	[tilespmem:s21+$0x60] =	vst v2;
	s21 =	sadd.s32 $0xC8, s21;
	s22 =	smov.u32 s25;
	s23 =	sadd.s32 $0x200, s25  }
0x5b: {  	p0 =	sne.s32 s25, $0xFFFFFE00;
	v2 =	vld.idx.msk [tilespmem:v0+s24+$0xFFFFFFC0 ss:$0x1], $0xffff  }
0x5c: {  	v3 =	vld.idx.msk [tilespmem:v1+s24+$0xFFFFFFC0 ss:$0x1], $0xffff;
	_ =	sdelay $0x4  }
0x5d: {  	v2 =	vshll.u32 v2, $0x7  }
0x5e: {  	v2 =	vadd.s32 v3, v2  }
0x5f: {  	[tilespmem:s21+$0xFFFFFFA0] =	vst v2  }
0x60: {  	v2 =	vld.idx.msk [tilespmem:v0+s24+$0xFFFFFFD0 ss:$0x1], $0xffff  }
0x61: {  	v3 =	vld.idx.msk [tilespmem:v1+s24+$0xFFFFFFD0 ss:$0x1], $0xffff;
	_ =	sdelay $0x4  }
0x62: {  	v2 =	vshll.u32 v2, $0x7  }
0x63: {  	v2 =	vadd.s32 v3, v2  }
0x64: {  	[tilespmem:s21+$0xFFFFFFB0] =	vst v2  }
0x65: {  	v2 =	vld.idx.msk [tilespmem:v0+s24+$0xFFFFFFE0 ss:$0x1], $0xffff  }
0x66: {  	v3 =	vld.idx.msk [tilespmem:v1+s24+$0xFFFFFFE0 ss:$0x1], $0xffff;
	_ =	sdelay $0x4  }
0x67: {  	v2 =	vshll.u32 v2, $0x7  }
0x68: {  	v2 =	vadd.s32 v3, v2  }
0x69: {  	[tilespmem:s21+$0xFFFFFFC0] =	vst v2  }
0x6a: {  	v2 =	vld.idx.msk [tilespmem:v0+s24+$0xFFFFFFF0 ss:$0x1], $0xffff  }
0x6b: {  	v3 =	vld.idx.msk [tilespmem:v1+s24+$0xFFFFFFF0 ss:$0x1], $0xffff;
	_ =	sdelay $0x4  }
0x6c: {  	v2 =	vshll.u32 v2, $0x7  }
0x6d: {  	v2 =	vadd.s32 v3, v2  }
0x6e: {  	[tilespmem:s21+$0xFFFFFFD0] =	vst v2  }
0x6f: {  	v2 =	vld.idx.msk [tilespmem:v0+s24+$0x0 ss:$0x1], $0xffff  }
0x70: {  	v3 =	vld.idx.msk [tilespmem:v1+s24+$0x0 ss:$0x1], $0xffff;
	_ =	sdelay $0x4  }
0x71: {  	v2 =	vshll.u32 v2, $0x7  }
0x72: {  	v2 =	vadd.s32 v3, v2  }
0x73: {  	[tilespmem:s21+$0xFFFFFFE0] =	vst v2  }
0x74: {  	v2 =	vld.idx.msk [tilespmem:v0+s24+$0x10 ss:$0x1], $0xffff  }
0x75: {  	v3 =	vld.idx.msk [tilespmem:v1+s24+$0x10 ss:$0x1], $0xffff;
	_ =	sdelay $0x4  }
0x76: {  	v2 =	vshll.u32 v2, $0x7  }
0x77: {  	v2 =	vadd.s32 v3, v2  }
0x78: {  	[tilespmem:s21+$0xFFFFFFF0] =	vst v2  }
0x79: {  	v2 =	vld.idx.msk [tilespmem:v0+s24+$0x20 ss:$0x1], $0xffff  }
0x7a: {  	v3 =	vld.idx.msk [tilespmem:v1+s24+$0x20 ss:$0x1], $0xffff;
	_ =	sdelay $0x4  }
0x7b: {  	v2 =	vshll.u32 v2, $0x7  }
0x7c: {  	v2 =	vadd.s32 v3, v2  }
0x7d: {  	[tilespmem:s21+$0x0] =	vst v2  }
0x7e: {  	v2 =	vld.idx.msk [tilespmem:v0+s24+$0x30 ss:$0x1], $0xffff  }
0x7f: {  	v3 =	vld.idx.msk [tilespmem:v1+s24+$0x30 ss:$0x1], $0xffff;
	_ =	sdelay $0x4  }
0x80: {  	v2 =	vshll.u32 v2, $0x7  }
0x81: {  	v2 =	vadd.s32 v3, v2  }
0x82: {  	[tilespmem:s21+$0x10] =	vst v2  }
0x83: {  	v2 =	vld.idx.msk [tilespmem:v0+s24+$0x3C0 ss:$0x1], $0xffff  }
0x84: {  	v3 =	vld.idx.msk [tilespmem:v1+s24+$0x3C0 ss:$0x1], $0xffff;
	_ =	sdelay $0x4  }
0x85: {  	v2 =	vshll.u32 v2, $0x7  }
0x86: {  	s25 =	sand.u32 $0x7FF8, s20;
	v2 =	vadd.s32 v3, v2  }
0x87: {  	[tilespmem:s25+$0x10080] =	vst v2  }
0x88: {  	v2 =	vld.idx.msk [tilespmem:v0+s24+$0x3D0 ss:$0x1], $0xffff  }
0x89: {  	v3 =	vld.idx.msk [tilespmem:v1+s24+$0x3D0 ss:$0x1], $0xffff;
	_ =	sdelay $0x4  }
0x8a: {  	v2 =	vshll.u32 v2, $0x7  }
0x8b: {  	v2 =	vadd.s32 v3, v2  }
0x8c: {  	[tilespmem:s21+$0x30] =	vst v2  }
0x8d: {  	v2 =	vld.idx.msk [tilespmem:v0+s24+$0x3E0 ss:$0x1], $0xffff  }
0x8e: {  	v3 =	vld.idx.msk [tilespmem:v1+s24+$0x3E0 ss:$0x1], $0xffff;
	_ =	sdelay $0x4  }
0x8f: {  	v2 =	vshll.u32 v2, $0x7  }
0x90: {  	v2 =	vadd.s32 v3, v2  }
0x91: {  	[tilespmem:s21+$0x40] =	vst v2  }
0x92: {  	v2 =	vld.idx.msk [tilespmem:v0+s24+$0x3F0 ss:$0x1], $0xffff  }
0x93: {  	v3 =	vld.idx.msk [tilespmem:v1+s24+$0x3F0 ss:$0x1], $0xffff;
	_ =	sdelay $0x4  }
0x94: {  	v2 =	vshll.u32 v2, $0x7  }
0x95: {  	v2 =	vadd.s32 v3, v2  }
0x96: {  	[tilespmem:s21+$0x50] =	vst v2  }
0x97: {  	v2 =	vld.idx.msk [tilespmem:v0+s24+$0x400 ss:$0x1], $0xffff  }
0x98: {  	v3 =	vld.idx.msk [tilespmem:v1+s24+$0x400 ss:$0x1], $0xffff;
	_ =	sdelay $0x1  }
.Ltmp0:
0x99: {  	(pc) =	sbr.rel @p0 .LBB2_3-.Ltmp0, $3  }
0x9a: {  	_ =	sdelay $0x1  }
0x9b: {  	v2 =	vshll.u32 v2, $0x7  }
0x9c: {  	s20 =	sadd.s32 $0xC8, s20;
	s25 =	smov.u32 s23;
	v2 =	vadd.s32 v3, v2  }
0x9d: {  	_ =	sdelay $0x2  }
0x9e: {  	s22 =	sshra.s32 s22, $0x2;
	[tilespmem:s21+$0x60] =	vst v2  }
0x9f: {  	v2 =	vld.idx.msk [tilespmem:v0+s22+$0xFFFFFFC0 ss:$0x1], $0xffff  }
0xa0: {  	v3 =	vld.idx.msk [tilespmem:v1+s22+$0xFFFFFFC0 ss:$0x1], $0xffff;
	_ =	sdelay $0x3  }
0xa1: {  	v2 =	vshll.u32 v2, $0x7  }
0xa2: {  	s29 =	sadd.s32 $0xC8, s21;
	v2 =	vadd.s32 v3, v2  }
0xa3: {  	[tilespmem:s29+$0xFFFFFFA0] =	vst v2  }
0xa4: {  	v2 =	vld.idx.msk [tilespmem:v0+s22+$0xFFFFFFD0 ss:$0x1], $0xffff  }
0xa5: {  	v51 =	vld.idx.msk [tilespmem:v1+s22+$0xFFFFFFD0 ss:$0x1], $0xffff;
	_ =	sdelay $0x3  }
0xa6: {  	v2 =	vshll.u32 v2, $0x7  }
0xa7: {  	v2 =	vadd.s32 v51, v2  }
0xa8: {  	[tilespmem:s29+$0xFFFFFFB0] =	vst v2  }
0xa9: {  	v2 =	vld.idx.msk [tilespmem:v0+s22+$0xFFFFFFE0 ss:$0x1], $0xffff  }
0xaa: {  	v52 =	vld.idx.msk [tilespmem:v1+s22+$0xFFFFFFE0 ss:$0x1], $0xffff;
	_ =	sdelay $0x3  }
0xab: {  	v2 =	vshll.u32 v2, $0x7  }
0xac: {  	v2 =	vadd.s32 v52, v2  }
0xad: {  	[tilespmem:s29+$0xFFFFFFC0] =	vst v2  }
0xae: {  	v2 =	vld.idx.msk [tilespmem:v0+s22+$0xFFFFFFF0 ss:$0x1], $0xffff  }
0xaf: {  	v53 =	vld.idx.msk [tilespmem:v1+s22+$0xFFFFFFF0 ss:$0x1], $0xffff;
	_ =	sdelay $0x3  }
0xb0: {  	v2 =	vshll.u32 v2, $0x7  }
0xb1: {  	v2 =	vadd.s32 v53, v2  }
0xb2: {  	[tilespmem:s29+$0xFFFFFFD0] =	vst v2  }
0xb3: {  	v2 =	vld.idx.msk [tilespmem:v0+s22+$0x0 ss:$0x1], $0xffff  }
0xb4: {  	v54 =	vld.idx.msk [tilespmem:v1+s22+$0x0 ss:$0x1], $0xffff;
	_ =	sdelay $0x3  }
0xb5: {  	v2 =	vshll.u32 v2, $0x7  }
0xb6: {  	v2 =	vadd.s32 v54, v2  }
0xb7: {  	[tilespmem:s29+$0xFFFFFFE0] =	vst v2  }
0xb8: {  	v2 =	vld.idx.msk [tilespmem:v0+s22+$0x10 ss:$0x1], $0xffff  }
0xb9: {  	v55 =	vld.idx.msk [tilespmem:v1+s22+$0x10 ss:$0x1], $0xffff;
	_ =	sdelay $0x3  }
0xba: {  	v2 =	vshll.u32 v2, $0x7  }
0xbb: {  	v2 =	vadd.s32 v55, v2  }
0xbc: {  	[tilespmem:s29+$0xFFFFFFF0] =	vst v2  }
0xbd: {  	v2 =	vld.idx.msk [tilespmem:v0+s22+$0x20 ss:$0x1], $0xffff  }
0xbe: {  	v56 =	vld.idx.msk [tilespmem:v1+s22+$0x20 ss:$0x1], $0xffff;
	_ =	sdelay $0x3  }
0xbf: {  	v2 =	vshll.u32 v2, $0x7  }
0xc0: {  	v2 =	vadd.s32 v56, v2  }
0xc1: {  	[tilespmem:s29+$0x0] =	vst v2  }
0xc2: {  	v2 =	vld.idx.msk [tilespmem:v0+s22+$0x30 ss:$0x1], $0xffff  }
0xc3: {  	v57 =	vld.idx.msk [tilespmem:v1+s22+$0x30 ss:$0x1], $0xffff;
	_ =	sdelay $0x3  }
0xc4: {  	v2 =	vshll.u32 v2, $0x7  }
0xc5: {  	v2 =	vadd.s32 v57, v2  }
0xc6: {  	[tilespmem:s29+$0x10] =	vst v2  }
0xc7: {  	v2 =	vld.idx.msk [tilespmem:v0+s22+$0x3C0 ss:$0x1], $0xffff  }
0xc8: {  	v58 =	vld.idx.msk [tilespmem:v1+s22+$0x3C0 ss:$0x1], $0xffff;
	_ =	sdelay $0x3  }
0xc9: {  	v2 =	vshll.u32 v2, $0x7  }
0xca: {  	s20 =	sand.u32 $0x7FF8, s20;
	v2 =	vadd.s32 v58, v2  }
0xcb: {  	[tilespmem:s20+$0x10080] =	vst v2  }
0xcc: {  	v2 =	vld.idx.msk [tilespmem:v0+s22+$0x3D0 ss:$0x1], $0xffff  }
0xcd: {  	v59 =	vld.idx.msk [tilespmem:v1+s22+$0x3D0 ss:$0x1], $0xffff;
	_ =	sdelay $0x3  }
0xce: {  	v2 =	vshll.u32 v2, $0x7  }
0xcf: {  	v2 =	vadd.s32 v59, v2  }
0xd0: {  	[tilespmem:s29+$0x30] =	vst v2  }
0xd1: {  	v2 =	vld.idx.msk [tilespmem:v0+s22+$0x3E0 ss:$0x1], $0xffff  }
0xd2: {  	v60 =	vld.idx.msk [tilespmem:v1+s22+$0x3E0 ss:$0x1], $0xffff;
	_ =	sdelay $0x3  }
0xd3: {  	v2 =	vshll.u32 v2, $0x7  }
0xd4: {  	v2 =	vadd.s32 v60, v2  }
0xd5: {  	[tilespmem:s29+$0x40] =	vst v2  }
0xd6: {  	v2 =	vld.idx.msk [tilespmem:v0+s22+$0x3F0 ss:$0x1], $0xffff  }
0xd7: {  	v61 =	vld.idx.msk [tilespmem:v1+s22+$0x3F0 ss:$0x1], $0xffff;
	_ =	sdelay $0x3  }
0xd8: {  	v2 =	vshll.u32 v2, $0x7  }
0xd9: {  	v2 =	vadd.s32 v61, v2  }
0xda: {  	[tilespmem:s29+$0x50] =	vst v2  }
0xdb: {  	v62 =	vld.idx.msk [tilespmem:v0+s22+$0x400 ss:$0x1], $0xffff  }
0xdc: {  	v63 =	vld.idx.msk [tilespmem:v1+s22+$0x400 ss:$0x1], $0xffff;
	_ =	sdelay $0x3  }
0xdd: {  	v0 =	vshll.u32 v62, $0x7  }
0xde: {  	p0 =	slt.u32 s19, $0x8;
	v0 =	vadd.s32 v63, v0  }
0xdf: {  	s20 =	simm.s32 @!p0 $0x1;
	[tilespmem:s29+$0x60] =	vst v0  }
0xe0: {  	_ =	swait.ge @!p0 [sflag:s20], $0x640  }
0xe1: {  	s30 =	smul.u32 $0x640, s19;
	s19 =	sadd.s32 $0x1, s19;
	[sflag:s20] =	ssyncset.done @!p0 $0x0  }
0xe2: {  	[sflag:s20] =	ssyncadd.s32 @!p0 $0xFFFFF9C0;
	p0 =	sne.s32 s19, $0x10  }
.Ltmp1:
0xe3: {  	_ = 	snop;
	(pc) =	sbr.rel @p0 .LBB2_2-.Ltmp1, $4  }
0xe4: {  	_ = 	snop  }
0xe5: {  	s15 =	sadd.s32 $0x640, s15;
	s18 =	sadd.s32 $0x640, s18;
	s16 =	sadd.s32 $0x800, s16  }
0xe6: {  	s17 =	sadd.s32 $0x800, s17;
	s31 =	sadd.s32 $0x16480, s30;
	s21 =	sadd.s32 $0x10000, s30  }
0xe7: {  	[tilespmem:s31], [sflag:$0x1] =	stream.indirect.gather [hbm4b:s1+s10], $0x1, s21, s10, $0xb8;
	[tilespmem:$0x1C900] =	vst v63  }
0xe8: {  	_ =	swait.ge [sflag:s11], $0x640  }
0xe9: {  	[sflag:s11] =	ssyncset.done $0x0  }
0xea: {  	[sflag:s11] =	ssyncadd.s32 $0xFFFFF9C0  }
0xeb: {  	_ =	swait.ge [sflag:s11], $0x640  }
0xec: {  	[sflag:s11] =	ssyncset.done $0x0  }
0xed: {  	[sflag:s11] =	ssyncadd.s32 $0xFFFFF9C0  }
0xee: {  	_ =	swait.ge [sflag:s11], $0x640  }
0xef: {  	[sflag:s11] =	ssyncset.done $0x0  }
0xf0: {  	[sflag:s11] =	ssyncadd.s32 $0xFFFFF9C0  }
0xf1: {  	_ =	swait.ge [sflag:s11], $0x640  }
0xf2: {  	[sflag:s11] =	ssyncset.done $0x0  }
0xf3: {  	[sflag:s11] =	ssyncadd.s32 $0xFFFFF9C0  }
0xf4: {  	_ =	swait.ge [sflag:s11], $0x640  }
0xf5: {  	[sflag:s11] =	ssyncset.done $0x0  }
0xf6: {  	[sflag:s11] =	ssyncadd.s32 $0xFFFFF9C0  }
0xf7: {  	_ =	swait.ge [sflag:s11], $0x640  }
0xf8: {  	[sflag:s11] =	ssyncset.done $0x0  }
0xf9: {  	[sflag:s11] =	ssyncadd.s32 $0xFFFFF9C0  }
0xfa: {  	_ =	swait.ge [sflag:s11], $0x640  }
0xfb: {  	[sflag:s11] =	ssyncset.done $0x0  }
0xfc: {  	[sflag:s11] =	ssyncadd.s32 $0xFFFFF9C0  }
0xfd: {  	s14 =	sadd.s32 $0x1, s14;
	_ =	swait.ge [sflag:s11], $0x640  }
0xfe: {  	p0 =	sne.s32 s14, s7;
	[sflag:s11] =	ssyncset.done $0x0  }
.Ltmp2:
0xff: {  	[sflag:s11] =	ssyncadd.s32 $0xFFFFF9C0;
	(pc) =	sbr.rel @p0 .LBB2_1-.Ltmp2, $4  }
0x100: {  	[hbm4b:s6+s3] =	stream.linear.scatter [tilespmem:s12], [sflag:$0x3], $0x6400, $0x38;
	[tilespmem:$0x1C900] =	vst v63  }
0x101: {  	_ =	swait.ge [sflag:s13], $0x6400  }
0x102: {  	[sflag:s13] =	ssyncset.done $0x0  }
0x103: {  	[sflag:s13] =	ssyncadd.s32 $0xFFFF9C00  }
0x104: {  	_ =	sfence.sel $0x180000  }
0x105: {  	[bflag:$0x0] =	sbarrier.arrive $0xFFFF  }
0x106: {  	p0 =	sne.s32 s2, $0x0;
	_ =	strace $0x90000047  }
0x107: {  	s0 =	sadd.s32 @!p0 $0x100000, s0;
	[bflag:$0x2] =	sbarrier.arrive $0xFFFF  }
0x108: {  	[sflag:s0] =	ssyncadd.tile.s32 @!p0 $0x1;
	_ =	shalt  }
.Lfunc_end2:
_tile_overlayer_lowered:
.L_overlay_start_2:
0x109: {  	(tag) =	ssettag $0x2  }
0x10a: {  	s0 =	rddreg [dreg:$0x0];
	s2 =	stileid.u32  }
0x10b: {  	s1 =	rddreg [dreg:$0x1];
	p0 =	sne.s32 s2, $0x0  }
0x10c: {  	s3 =	rddreg [dreg:$0x2];
	[bflag:$0x3] =	sbarrier.arrive $0xFFFF;
	s2 =	simm.s32 @!p0 $0x1C03  }
0x10d: {  	[timem:s3], [sflag:s2] =	dma.local @!p0 [hbm:s0], s1  }
0x10e: {  	s0 =	simm.s32 @!p0 $0x3  }
0x10f: {  	_ =	swait.ge @!p0 [sflag:s0], s1  }
0x110: {  	s1 =	ssub.s32 @!p0 $0x0, s1;
	[sflag:s0] =	ssyncset.done @!p0 $0x0  }
0x111: {  	[sflag:s0] =	ssyncadd.s32 @!p0 s1  }
0x112: {  	[bflag:$0x3] =	sbarrier.arrive $0xFFFF  }
0x113: {  	_ =	shalt  }

</sc_bundles>
